<compile_context>
chip_gen: v7x
topology: tpu7x:2x2x1
jax: 0.10.2.dev20260603
libtpu: 0.0.44.dev20260713+nightly
codegen_flags: <defaults>
</compile_context>

<pallas_src>
import functools

import jax
import jax.numpy as jnp
from jax import lax
from jax.experimental import pallas as pl
from jax.experimental.pallas import tpu as pltpu
from jax.experimental.pallas import tpu_sc as plsc

B = 8
N = 256
EMB = 64
E_PER = 8192
R_PER = 4096
LANES = 16


def _sc_build_table(edge_index, ring_index, zeros):
    mesh = plsc.VectorSubcoreMesh(core_axis_name="c", subcore_axis_name="s")

    @functools.partial(
        pl.kernel,
        mesh=mesh,
        compiler_params=pltpu.CompilerParams(needs_layout_passes=False),
        out_type=jax.ShapeDtypeStruct((B, N * N), jnp.int32),
        scratch_types=[
            pltpu.VMEM((N * N,), jnp.int32),
            pltpu.VMEM((E_PER,), jnp.int32),
            pltpu.VMEM((E_PER,), jnp.int32),
            pltpu.VMEM((R_PER,), jnp.int32),
            pltpu.VMEM((R_PER,), jnp.int32),
        ],
    )
    def build(edge_hbm, ring_hbm, zeros_hbm, out_hbm, slab, es, ed, rs, rd):
        tid = lax.axis_index("s") * 2 + lax.axis_index("c")

        @pl.when(tid < B)
        def _():
            b = tid
            pltpu.sync_copy(zeros_hbm, slab)
            pltpu.sync_copy(edge_hbm.at[0, pl.ds(b * E_PER, E_PER)], es)
            pltpu.sync_copy(edge_hbm.at[1, pl.ds(b * E_PER, E_PER)], ed)
            pltpu.sync_copy(ring_hbm.at[0, pl.ds(b * R_PER, R_PER)], rs)
            pltpu.sync_copy(ring_hbm.at[1, pl.ds(b * R_PER, R_PER)], rd)

            neg1 = jnp.full((LANES,), -1, jnp.int32)
            two = jnp.full((LANES,), 2, jnp.int32)

            @plsc.parallel_loop(0, E_PER, LANES, unroll=8)
            def _edge_step(i):
                s = es[pl.ds(i, LANES)]
                d = ed[pl.ds(i, LANES)]
                p = ((s & (N - 1)) << 8) | (d & (N - 1))
                plsc.addupdate_scatter(slab, [p], neg1)

            @plsc.parallel_loop(0, R_PER, LANES, unroll=8)
            def _ring_step(i):
                s = rs[pl.ds(i, LANES)]
                d = rd[pl.ds(i, LANES)]
                p = ((s & (N - 1)) << 8) | (d & (N - 1))
                plsc.addupdate_scatter(slab, [p], two)

            pltpu.sync_copy(slab, out_hbm.at[b])

    return build(edge_index, ring_index, zeros)


def _tc_body(x_ref, idx_ref, w_ref, o_ref):
    x = x_ref[...]
    idx = idx_ref[...]
    w1 = w_ref[1, :]
    w2 = w_ref[2, :]
    m1 = (idx == 1).astype(jnp.float32)[..., None]
    m2 = (idx == 2).astype(jnp.float32)[..., None]
    o_ref[...] = x + m1 * w1[None, None, :] + m2 * w2[None, None, :]


def kernel(edge_dense, emb_weight, ring_index, edge_index, batch):
    del batch
    table = _sc_build_table(edge_index, ring_index,
                            jnp.zeros((N * N,), jnp.int32))
    idx = table.reshape(B * N, N)
    x = edge_dense.reshape(B * N, N, EMB)
    w = jnp.pad(emb_weight, ((0, 8 - emb_weight.shape[0]), (0, 0)))
    rows = 16
    out = pl.pallas_call(
        _tc_body,
        grid=(B * N // rows,),
        in_specs=[
            pl.BlockSpec((rows, N, EMB), lambda i: (i, 0, 0)),
            pl.BlockSpec((rows, N), lambda i: (i, 0)),
            pl.BlockSpec((8, EMB), lambda i: (0, 0)),
        ],
        out_specs=pl.BlockSpec((rows, N, EMB), lambda i: (i, 0, 0)),
        out_shape=jax.ShapeDtypeStruct((B * N, N, EMB), jnp.float32),
    )(x, idx, w)
    return out.reshape(B, N, N, EMB)

# --- scband reference (transcript-rebuilt; emitter-appended) ---
"""Pipeline reference for scband-ring-edge-encoder-46660524703964 (READ-ONLY COPY).

The authoritative reference and input builder live on the scoring server;
editing this copy changes nothing except your own understanding.
"""

import jax, jax.numpy as jnp
import numpy as np

B, N, EMB_DIM = 8, 256, 64


def _make_edges(rng, e_per_graph):
    srcs, dsts = [], []
    for b in range(B):
        lin = rng.choice(N * N, size=e_per_graph, replace=False)
        srcs.append(lin // N + b * N)
        dsts.append(lin % N + b * N)
    return jnp.asarray(np.stack([np.concatenate(srcs), np.concatenate(dsts)]), dtype=jnp.int32)


def setup_inputs(seed: int = 0) -> dict:
    rng = np.random.default_rng(0)
    edge_index = _make_edges(rng, 8192)   # [2, 65536], avg degree 32
    ring_index = _make_edges(rng, 4096)   # [2, 32768], avg degree 16
    batch = jnp.asarray(np.repeat(np.arange(B), N), dtype=jnp.int32)  # sorted node->graph ids
    key = jax.random.key(seed)
    edge_dense = jax.random.normal(jax.random.fold_in(key, 0), (B, N, N, EMB_DIM), dtype=jnp.float32)
    emb_weight = jax.random.normal(jax.random.fold_in(key, 1), (3, EMB_DIM), dtype=jnp.float32) * 0.02
    emb_weight = emb_weight.at[0].set(0.0)  # padding_idx=0
    return {"edge_dense": edge_dense, "emb_weight": emb_weight,
            "ring_index": ring_index, "edge_index": edge_index, "batch": batch}


def _to_dense_adj(edge_index, batch, num_graphs, max_nodes):
    num_nodes = jnp.bincount(batch, length=num_graphs)
    ptr = jnp.concatenate([jnp.zeros((1,), dtype=num_nodes.dtype), jnp.cumsum(num_nodes)])[:-1]
    src, dst = edge_index[0], edge_index[1]
    b = batch[src]
    src_l = src - ptr[b]
    dst_l = dst - ptr[b]
    adj = jnp.zeros((num_graphs, max_nodes, max_nodes), dtype=jnp.float32)
    adj = adj.at[b, src_l, dst_l].add(1.0)
    return adj


def reference(edge_dense, emb_weight, ring_index, edge_index, batch):
    num_graphs = edge_dense.shape[0]
    max_nodes = edge_dense.shape[1]
    ring_dense = (2 * _to_dense_adj(ring_index, batch, num_graphs, max_nodes)).astype(jnp.int32)
    ring_dense = ring_dense - _to_dense_adj(edge_index, batch, num_graphs, max_nodes).astype(jnp.int32)
    ring_dense = jnp.where(ring_dense == -1, 0, ring_dense)
    out = edge_dense + jnp.take(emb_weight, ring_dense, axis=0)
    return out

if __name__ == "__main__":
    import jax
    _d = setup_inputs()
    print(jax.jit(kernel)(*tuple(_d.values())))

</pallas_src>

<mosaic_0001>
#map = affine_map<(d0, d1) -> (0, 0)>
#map1 = affine_map<(d0, d1) -> (0)>
module attributes {stable_mosaic.version = 14 : i64} {
  func.func @build(%arg0: i32, %arg1: i32, %arg2: memref<2x65536xi32, #tpu.memory_space<hbm>>, %arg3: memref<2x32768xi32, #tpu.memory_space<hbm>>, %arg4: memref<65536xi32, #tpu.memory_space<hbm>>, %arg5: memref<8x65536xi32, #tpu.memory_space<hbm>>, %arg6: memref<65536xi32, #tpu.memory_space<vmem>>, %arg7: memref<8192xi32, #tpu.memory_space<vmem>>, %arg8: memref<8192xi32, #tpu.memory_space<vmem>>, %arg9: memref<4096xi32, #tpu.memory_space<vmem>>, %arg10: memref<4096xi32, #tpu.memory_space<vmem>>) attributes {dimension_semantics = [#tpu.dimension_semantics<core_parallel>, #tpu.dimension_semantics<subcore_parallel>], iteration_bounds = array<i64: 2, 16>, scalar_prefetch = 0 : i64, scratch_operands = 5 : i64, tpu.core_type = #tpu.core_type<sc_vector_subcore>, window_params = [{transform_indices = #map}, {transform_indices = #map}, {transform_indices = #map1}, {transform_indices = #map}]} {
    %mul3A = arith.constant 2 : i32
    %mul3A_0 = arith.muli %arg1, %mul3A : i32
    %add3A = arith.addi %mul3A_0, %arg0 : i32
    %lt3A = arith.constant 8 : i32
    %lt3A_1 = arith.cmpi slt, %add3A, %lt3A : i32
    %convert_element_type3A = arith.extui %lt3A_1 : i1 to i32
    %cond3A = arith.constant 0 : i32
    %cond3A_2 = arith.cmpi ne, %convert_element_type3A, %cond3A : i32
    scf.if %cond3A_2 {
      "tpu.region"() ({
        %run_scoped3A_22 = tpu.sem_alloc : memref<!tpu.dma_semaphore, #tpu.memory_space<semaphore_mem>>
        tpu.enqueue_dma source(%arg4 : memref<65536xi32, #tpu.memory_space<hbm>>) target(%arg6 : memref<65536xi32, #tpu.memory_space<vmem>>) target_semaphore(%run_scoped3A_22 : memref<!tpu.dma_semaphore, #tpu.memory_space<semaphore_mem>>)
        tpu.wait_dma2 semaphore(%run_scoped3A_22 : memref<!tpu.dma_semaphore, #tpu.memory_space<semaphore_mem>>) src(%arg4 : memref<65536xi32, #tpu.memory_space<hbm>>) dst(%arg6 : memref<65536xi32, #tpu.memory_space<vmem>>)
        tpu.yield
      }) : () -> ()
      %mul3A_3 = arith.constant 8192 : i32
      %mul3A_4 = arith.muli %add3A, %mul3A_3 : i32
      %run_scoped3A = arith.constant 0 : i32
      "tpu.region"() ({
        %run_scoped3A_22 = tpu.sem_alloc : memref<!tpu.dma_semaphore, #tpu.memory_space<semaphore_mem>>
        %dma_start3A = tpu.memref_slice %arg2[%run_scoped3A, %mul3A_4] : memref<2x65536xi32, #tpu.memory_space<hbm>> -> memref<1x8192xi32, #tpu.memory_space<hbm>>
        %dma_start3A_23 = tpu.memref_squeeze %dma_start3A : memref<1x8192xi32, #tpu.memory_space<hbm>> -> memref<8192xi32, #tpu.memory_space<hbm>>
        %dma_start3A_24 = tpu.memref_slice %arg2[%run_scoped3A, %mul3A_4] : memref<2x65536xi32, #tpu.memory_space<hbm>> -> memref<1x8192xi32, #tpu.memory_space<hbm>>
        %dma_start3A_25 = tpu.memref_squeeze %dma_start3A_24 : memref<1x8192xi32, #tpu.memory_space<hbm>> -> memref<8192xi32, #tpu.memory_space<hbm>>
        tpu.enqueue_dma source(%dma_start3A_25 : memref<8192xi32, #tpu.memory_space<hbm>>) target(%arg7 : memref<8192xi32, #tpu.memory_space<vmem>>) target_semaphore(%run_scoped3A_22 : memref<!tpu.dma_semaphore, #tpu.memory_space<semaphore_mem>>)
        %dma_wait3A = tpu.memref_slice %arg2[%run_scoped3A, %mul3A_4] : memref<2x65536xi32, #tpu.memory_space<hbm>> -> memref<1x8192xi32, #tpu.memory_space<hbm>>
        %dma_wait3A_26 = tpu.memref_squeeze %dma_wait3A : memref<1x8192xi32, #tpu.memory_space<hbm>> -> memref<8192xi32, #tpu.memory_space<hbm>>
        %dma_wait3A_27 = tpu.memref_slice %arg2[%run_scoped3A, %mul3A_4] : memref<2x65536xi32, #tpu.memory_space<hbm>> -> memref<1x8192xi32, #tpu.memory_space<hbm>>
        %dma_wait3A_28 = tpu.memref_squeeze %dma_wait3A_27 : memref<1x8192xi32, #tpu.memory_space<hbm>> -> memref<8192xi32, #tpu.memory_space<hbm>>
        tpu.wait_dma2 semaphore(%run_scoped3A_22 : memref<!tpu.dma_semaphore, #tpu.memory_space<semaphore_mem>>) src(%dma_wait3A_28 : memref<8192xi32, #tpu.memory_space<hbm>>) dst(%arg7 : memref<8192xi32, #tpu.memory_space<vmem>>)
        tpu.yield
      }) : () -> ()
      %mul3A_5 = arith.constant 8192 : i32
      %mul3A_6 = arith.muli %add3A, %mul3A_5 : i32
      %run_scoped3A_7 = arith.constant 1 : i32
      "tpu.region"() ({
        %run_scoped3A_22 = tpu.sem_alloc : memref<!tpu.dma_semaphore, #tpu.memory_space<semaphore_mem>>
        %dma_start3A = tpu.memref_slice %arg2[%run_scoped3A_7, %mul3A_6] : memref<2x65536xi32, #tpu.memory_space<hbm>> -> memref<1x8192xi32, #tpu.memory_space<hbm>>
        %dma_start3A_23 = tpu.memref_squeeze %dma_start3A : memref<1x8192xi32, #tpu.memory_space<hbm>> -> memref<8192xi32, #tpu.memory_space<hbm>>
        %dma_start3A_24 = tpu.memref_slice %arg2[%run_scoped3A_7, %mul3A_6] : memref<2x65536xi32, #tpu.memory_space<hbm>> -> memref<1x8192xi32, #tpu.memory_space<hbm>>
        %dma_start3A_25 = tpu.memref_squeeze %dma_start3A_24 : memref<1x8192xi32, #tpu.memory_space<hbm>> -> memref<8192xi32, #tpu.memory_space<hbm>>
        tpu.enqueue_dma source(%dma_start3A_25 : memref<8192xi32, #tpu.memory_space<hbm>>) target(%arg8 : memref<8192xi32, #tpu.memory_space<vmem>>) target_semaphore(%run_scoped3A_22 : memref<!tpu.dma_semaphore, #tpu.memory_space<semaphore_mem>>)
        %dma_wait3A = tpu.memref_slice %arg2[%run_scoped3A_7, %mul3A_6] : memref<2x65536xi32, #tpu.memory_space<hbm>> -> memref<1x8192xi32, #tpu.memory_space<hbm>>
        %dma_wait3A_26 = tpu.memref_squeeze %dma_wait3A : memref<1x8192xi32, #tpu.memory_space<hbm>> -> memref<8192xi32, #tpu.memory_space<hbm>>
        %dma_wait3A_27 = tpu.memref_slice %arg2[%run_scoped3A_7, %mul3A_6] : memref<2x65536xi32, #tpu.memory_space<hbm>> -> memref<1x8192xi32, #tpu.memory_space<hbm>>
        %dma_wait3A_28 = tpu.memref_squeeze %dma_wait3A_27 : memref<1x8192xi32, #tpu.memory_space<hbm>> -> memref<8192xi32, #tpu.memory_space<hbm>>
        tpu.wait_dma2 semaphore(%run_scoped3A_22 : memref<!tpu.dma_semaphore, #tpu.memory_space<semaphore_mem>>) src(%dma_wait3A_28 : memref<8192xi32, #tpu.memory_space<hbm>>) dst(%arg8 : memref<8192xi32, #tpu.memory_space<vmem>>)
        tpu.yield
      }) : () -> ()
      %mul3A_8 = arith.constant 4096 : i32
      %mul3A_9 = arith.muli %add3A, %mul3A_8 : i32
      %run_scoped3A_10 = arith.constant 0 : i32
      "tpu.region"() ({
        %run_scoped3A_22 = tpu.sem_alloc : memref<!tpu.dma_semaphore, #tpu.memory_space<semaphore_mem>>
        %dma_start3A = tpu.memref_slice %arg3[%run_scoped3A_10, %mul3A_9] : memref<2x32768xi32, #tpu.memory_space<hbm>> -> memref<1x4096xi32, #tpu.memory_space<hbm>>
        %dma_start3A_23 = tpu.memref_squeeze %dma_start3A : memref<1x4096xi32, #tpu.memory_space<hbm>> -> memref<4096xi32, #tpu.memory_space<hbm>>
        %dma_start3A_24 = tpu.memref_slice %arg3[%run_scoped3A_10, %mul3A_9] : memref<2x32768xi32, #tpu.memory_space<hbm>> -> memref<1x4096xi32, #tpu.memory_space<hbm>>
        %dma_start3A_25 = tpu.memref_squeeze %dma_start3A_24 : memref<1x4096xi32, #tpu.memory_space<hbm>> -> memref<4096xi32, #tpu.memory_space<hbm>>
        tpu.enqueue_dma source(%dma_start3A_25 : memref<4096xi32, #tpu.memory_space<hbm>>) target(%arg9 : memref<4096xi32, #tpu.memory_space<vmem>>) target_semaphore(%run_scoped3A_22 : memref<!tpu.dma_semaphore, #tpu.memory_space<semaphore_mem>>)
        %dma_wait3A = tpu.memref_slice %arg3[%run_scoped3A_10, %mul3A_9] : memref<2x32768xi32, #tpu.memory_space<hbm>> -> memref<1x4096xi32, #tpu.memory_space<hbm>>
        %dma_wait3A_26 = tpu.memref_squeeze %dma_wait3A : memref<1x4096xi32, #tpu.memory_space<hbm>> -> memref<4096xi32, #tpu.memory_space<hbm>>
        %dma_wait3A_27 = tpu.memref_slice %arg3[%run_scoped3A_10, %mul3A_9] : memref<2x32768xi32, #tpu.memory_space<hbm>> -> memref<1x4096xi32, #tpu.memory_space<hbm>>
        %dma_wait3A_28 = tpu.memref_squeeze %dma_wait3A_27 : memref<1x4096xi32, #tpu.memory_space<hbm>> -> memref<4096xi32, #tpu.memory_space<hbm>>
        tpu.wait_dma2 semaphore(%run_scoped3A_22 : memref<!tpu.dma_semaphore, #tpu.memory_space<semaphore_mem>>) src(%dma_wait3A_28 : memref<4096xi32, #tpu.memory_space<hbm>>) dst(%arg9 : memref<4096xi32, #tpu.memory_space<vmem>>)
        tpu.yield
      }) : () -> ()
      %mul3A_11 = arith.constant 4096 : i32
      %mul3A_12 = arith.muli %add3A, %mul3A_11 : i32
      %run_scoped3A_13 = arith.constant 1 : i32
      "tpu.region"() ({
        %run_scoped3A_22 = tpu.sem_alloc : memref<!tpu.dma_semaphore, #tpu.memory_space<semaphore_mem>>
        %dma_start3A = tpu.memref_slice %arg3[%run_scoped3A_13, %mul3A_12] : memref<2x32768xi32, #tpu.memory_space<hbm>> -> memref<1x4096xi32, #tpu.memory_space<hbm>>
        %dma_start3A_23 = tpu.memref_squeeze %dma_start3A : memref<1x4096xi32, #tpu.memory_space<hbm>> -> memref<4096xi32, #tpu.memory_space<hbm>>
        %dma_start3A_24 = tpu.memref_slice %arg3[%run_scoped3A_13, %mul3A_12] : memref<2x32768xi32, #tpu.memory_space<hbm>> -> memref<1x4096xi32, #tpu.memory_space<hbm>>
        %dma_start3A_25 = tpu.memref_squeeze %dma_start3A_24 : memref<1x4096xi32, #tpu.memory_space<hbm>> -> memref<4096xi32, #tpu.memory_space<hbm>>
        tpu.enqueue_dma source(%dma_start3A_25 : memref<4096xi32, #tpu.memory_space<hbm>>) target(%arg10 : memref<4096xi32, #tpu.memory_space<vmem>>) target_semaphore(%run_scoped3A_22 : memref<!tpu.dma_semaphore, #tpu.memory_space<semaphore_mem>>)
        %dma_wait3A = tpu.memref_slice %arg3[%run_scoped3A_13, %mul3A_12] : memref<2x32768xi32, #tpu.memory_space<hbm>> -> memref<1x4096xi32, #tpu.memory_space<hbm>>
        %dma_wait3A_26 = tpu.memref_squeeze %dma_wait3A : memref<1x4096xi32, #tpu.memory_space<hbm>> -> memref<4096xi32, #tpu.memory_space<hbm>>
        %dma_wait3A_27 = tpu.memref_slice %arg3[%run_scoped3A_13, %mul3A_12] : memref<2x32768xi32, #tpu.memory_space<hbm>> -> memref<1x4096xi32, #tpu.memory_space<hbm>>
        %dma_wait3A_28 = tpu.memref_squeeze %dma_wait3A_27 : memref<1x4096xi32, #tpu.memory_space<hbm>> -> memref<4096xi32, #tpu.memory_space<hbm>>
        tpu.wait_dma2 semaphore(%run_scoped3A_22 : memref<!tpu.dma_semaphore, #tpu.memory_space<semaphore_mem>>) src(%dma_wait3A_28 : memref<4096xi32, #tpu.memory_space<hbm>>) dst(%arg10 : memref<4096xi32, #tpu.memory_space<vmem>>)
        tpu.yield
      }) : () -> ()
      %broadcast_in_dim3A = arith.constant -1 : i32
      %broadcast_in_dim3A_14 = vector.broadcast %broadcast_in_dim3A : i32 to vector<16xi32>
      %broadcast_in_dim3A_15 = arith.constant 2 : i32
      %broadcast_in_dim3A_16 = vector.broadcast %broadcast_in_dim3A_15 : i32 to vector<16xi32>
      %parallel_loop3A = arith.constant 0 : i32
      %parallel_loop3A_17 = arith.constant 8192 : i32
      %parallel_loop3A_18 = arith.constant 16 : i32
      scf.for %parallel_loop3A_22 = %parallel_loop3A to %parallel_loop3A_17 step %parallel_loop3A_18  : i32 {
        %parallel_loop3A_23 = arith.index_cast %parallel_loop3A_22 : i32 to index
        %parallel_loop3A_24 = tpu.vector_load %arg7[%parallel_loop3A_23] {strides = array<i32>} : memref<8192xi32, #tpu.memory_space<vmem>>, vector<16xi32>,
        %parallel_loop3A_25 = arith.index_cast %parallel_loop3A_22 : i32 to index
        %parallel_loop3A_26 = tpu.vector_load %arg8[%parallel_loop3A_25] {strides = array<i32>} : memref<8192xi32, #tpu.memory_space<vmem>>, vector<16xi32>,
        %parallel_loop3A_27 = arith.constant 255 : i32
        %parallel_loop3A_28 = vector.broadcast %parallel_loop3A_27 : i32 to vector<16xi32>
        %parallel_loop3A_29 = arith.andi %parallel_loop3A_24, %parallel_loop3A_28 : vector<16xi32>
        %parallel_loop3A_30 = arith.constant 8 : i32
        %parallel_loop3A_31 = vector.broadcast %parallel_loop3A_30 : i32 to vector<16xi32>
        %parallel_loop3A_32 = arith.shli %parallel_loop3A_29, %parallel_loop3A_31 : vector<16xi32>
        %parallel_loop3A_33 = arith.constant 255 : i32
        %parallel_loop3A_34 = vector.broadcast %parallel_loop3A_33 : i32 to vector<16xi32>
        %parallel_loop3A_35 = arith.andi %parallel_loop3A_26, %parallel_loop3A_34 : vector<16xi32>
        %parallel_loop3A_36 = arith.ori %parallel_loop3A_32, %parallel_loop3A_35 : vector<16xi32>
        tpu.vector_store_idx %arg6[%parallel_loop3A_36], %broadcast_in_dim3A_14 {add = true} : memref<65536xi32, #tpu.memory_space<vmem>>[vector<16xi32>], vector<16xi32>,
      } {sc.loop_unroll_factor = 8 : i64, sc.parallel_access}
      %parallel_loop3A_19 = arith.constant 0 : i32
      %parallel_loop3A_20 = arith.constant 4096 : i32
      %parallel_loop3A_21 = arith.constant 16 : i32
      scf.for %parallel_loop3A_22 = %parallel_loop3A_19 to %parallel_loop3A_20 step %parallel_loop3A_21  : i32 {
        %parallel_loop3A_23 = arith.index_cast %parallel_loop3A_22 : i32 to index
        %parallel_loop3A_24 = tpu.vector_load %arg9[%parallel_loop3A_23] {strides = array<i32>} : memref<4096xi32, #tpu.memory_space<vmem>>, vector<16xi32>,
        %parallel_loop3A_25 = arith.index_cast %parallel_loop3A_22 : i32 to index
        %parallel_loop3A_26 = tpu.vector_load %arg10[%parallel_loop3A_25] {strides = array<i32>} : memref<4096xi32, #tpu.memory_space<vmem>>, vector<16xi32>,
        %parallel_loop3A_27 = arith.constant 255 : i32
        %parallel_loop3A_28 = vector.broadcast %parallel_loop3A_27 : i32 to vector<16xi32>
        %parallel_loop3A_29 = arith.andi %parallel_loop3A_24, %parallel_loop3A_28 : vector<16xi32>
        %parallel_loop3A_30 = arith.constant 8 : i32
        %parallel_loop3A_31 = vector.broadcast %parallel_loop3A_30 : i32 to vector<16xi32>
        %parallel_loop3A_32 = arith.shli %parallel_loop3A_29, %parallel_loop3A_31 : vector<16xi32>
        %parallel_loop3A_33 = arith.constant 255 : i32
        %parallel_loop3A_34 = vector.broadcast %parallel_loop3A_33 : i32 to vector<16xi32>
        %parallel_loop3A_35 = arith.andi %parallel_loop3A_26, %parallel_loop3A_34 : vector<16xi32>
        %parallel_loop3A_36 = arith.ori %parallel_loop3A_32, %parallel_loop3A_35 : vector<16xi32>
        tpu.vector_store_idx %arg6[%parallel_loop3A_36], %broadcast_in_dim3A_16 {add = true} : memref<65536xi32, #tpu.memory_space<vmem>>[vector<16xi32>], vector<16xi32>,
      } {sc.loop_unroll_factor = 8 : i64, sc.parallel_access}
      "tpu.region"() ({
        %run_scoped3A_22 = tpu.sem_alloc : memref<!tpu.dma_semaphore, #tpu.memory_space<semaphore_mem>>
        %dma_start3A = arith.constant 0 : i32
        %dma_start3A_23 = tpu.memref_slice %arg5[%add3A, %dma_start3A] : memref<8x65536xi32, #tpu.memory_space<hbm>> -> memref<1x65536xi32, #tpu.memory_space<hbm>>
        %dma_start3A_24 = tpu.memref_squeeze %dma_start3A_23 : memref<1x65536xi32, #tpu.memory_space<hbm>> -> memref<65536xi32, #tpu.memory_space<hbm>>
        %dma_start3A_25 = arith.constant 0 : i32
        %dma_start3A_26 = tpu.memref_slice %arg5[%add3A, %dma_start3A_25] : memref<8x65536xi32, #tpu.memory_space<hbm>> -> memref<1x65536xi32, #tpu.memory_space<hbm>>
        %dma_start3A_27 = tpu.memref_squeeze %dma_start3A_26 : memref<1x65536xi32, #tpu.memory_space<hbm>> -> memref<65536xi32, #tpu.memory_space<hbm>>
        tpu.enqueue_dma source(%arg6 : memref<65536xi32, #tpu.memory_space<vmem>>) target(%dma_start3A_27 : memref<65536xi32, #tpu.memory_space<hbm>>) target_semaphore(%run_scoped3A_22 : memref<!tpu.dma_semaphore, #tpu.memory_space<semaphore_mem>>)
        %dma_wait3A = arith.constant 0 : i32
        %dma_wait3A_28 = tpu.memref_slice %arg5[%add3A, %dma_wait3A] : memref<8x65536xi32, #tpu.memory_space<hbm>> -> memref<1x65536xi32, #tpu.memory_space<hbm>>
        %dma_wait3A_29 = tpu.memref_squeeze %dma_wait3A_28 : memref<1x65536xi32, #tpu.memory_space<hbm>> -> memref<65536xi32, #tpu.memory_space<hbm>>
        %dma_wait3A_30 = arith.constant 0 : i32
        %dma_wait3A_31 = tpu.memref_slice %arg5[%add3A, %dma_wait3A_30] : memref<8x65536xi32, #tpu.memory_space<hbm>> -> memref<1x65536xi32, #tpu.memory_space<hbm>>
        %dma_wait3A_32 = tpu.memref_squeeze %dma_wait3A_31 : memref<1x65536xi32, #tpu.memory_space<hbm>> -> memref<65536xi32, #tpu.memory_space<hbm>>
        tpu.wait_dma2 semaphore(%run_scoped3A_22 : memref<!tpu.dma_semaphore, #tpu.memory_space<semaphore_mem>>) src(%arg6 : memref<65536xi32, #tpu.memory_space<vmem>>) dst(%dma_wait3A_32 : memref<65536xi32, #tpu.memory_space<hbm>>)
        tpu.yield
      }) : () -> ()
    } else {
    }
    return
  }
}

module attributes {stable_mosaic.version = 14 : i64} {
  func.func @_tc_body(%arg0: i32, %arg1: memref<16x256x64xf32, #tpu.memory_space<vmem>>, %arg2: memref<16x256xi32, #tpu.memory_space<vmem>>, %arg3: memref<8x64xf32, #tpu.memory_space<vmem>>, %arg4: memref<16x256x64xf32, #tpu.memory_space<vmem>>) attributes {dimension_semantics = [#tpu.dimension_semantics<arbitrary>], iteration_bounds = array<i64: 128>, scalar_prefetch = 0 : i64, scratch_operands = 0 : i64, tpu.core_type = #tpu.core_type<tc>, window_params = [{transform_indices = @transform_0, window_bounds = array<i64: 16, 256, 64>}, {transform_indices = @transform_1, window_bounds = array<i64: 16, 256>}, {pipeline_mode = #tpu.pipeline_mode<synchronous>, transform_indices = @transform_2, window_bounds = array<i64: 8, 64>}, {transform_indices = @transform_3, window_bounds = array<i64: 16, 256, 64>}]} {
    %get3A = arith.constant 0 : index
    %get3A_0 = arith.constant 0 : index
    %get3A_1 = arith.constant 0 : index
    %get3A_2 = vector.load %arg1[%get3A, %get3A_0, %get3A_1] : memref<16x256x64xf32, #tpu.memory_space<vmem>>, vector<16x256x64xf32>
    %get3A_3 = arith.constant 0 : index
    %get3A_4 = arith.constant 0 : index
    %get3A_5 = vector.load %arg2[%get3A_3, %get3A_4] : memref<16x256xi32, #tpu.memory_space<vmem>>, vector<16x256xi32>
    %get3A_6 = arith.constant 1 : index
    %get3A_7 = arith.constant 0 : index
    %get3A_8 = vector.load %arg3[%get3A_6, %get3A_7] : memref<8x64xf32, #tpu.memory_space<vmem>>, vector<1x64xf32>
    %get3A_9 = vector.shape_cast %get3A_8 : vector<1x64xf32> to vector<64xf32>
    %get3A_10 = arith.constant 2 : index
    %get3A_11 = arith.constant 0 : index
    %get3A_12 = vector.load %arg3[%get3A_10, %get3A_11] : memref<8x64xf32, #tpu.memory_space<vmem>>, vector<1x64xf32>
    %get3A_13 = vector.shape_cast %get3A_12 : vector<1x64xf32> to vector<64xf32>
    %eq3A = arith.constant 1 : i32
    %eq3A_14 = vector.broadcast %eq3A : i32 to vector<16x256xi32>
    %eq3A_15 = arith.cmpi eq, %get3A_5, %eq3A_14 : vector<16x256xi32>
    %convert_element_type3A = arith.extui %eq3A_15 : vector<16x256xi1> to vector<16x256xi32>
    %convert_element_type3A_16 = arith.sitofp %convert_element_type3A : vector<16x256xi32> to vector<16x256xf32>
    %broadcast_in_dim3A = vector.shape_cast %convert_element_type3A_16 : vector<16x256xf32> to vector<16x256x1xf32>
    %eq3A_17 = arith.constant 2 : i32
    %eq3A_18 = vector.broadcast %eq3A_17 : i32 to vector<16x256xi32>
    %eq3A_19 = arith.cmpi eq, %get3A_5, %eq3A_18 : vector<16x256xi32>
    %convert_element_type3A_20 = arith.extui %eq3A_19 : vector<16x256xi1> to vector<16x256xi32>
    %convert_element_type3A_21 = arith.sitofp %convert_element_type3A_20 : vector<16x256xi32> to vector<16x256xf32>
    %broadcast_in_dim3A_22 = vector.shape_cast %convert_element_type3A_21 : vector<16x256xf32> to vector<16x256x1xf32>
    %broadcast_in_dim3A_23 = vector.shape_cast %get3A_9 : vector<64xf32> to vector<1x1x64xf32>
    %mul3A = vector.broadcast %broadcast_in_dim3A : vector<16x256x1xf32> to vector<16x256x64xf32>
    %mul3A_24 = vector.broadcast %broadcast_in_dim3A_23 : vector<1x1x64xf32> to vector<16x256x64xf32>
    %mul3A_25 = arith.mulf %mul3A, %mul3A_24 : vector<16x256x64xf32>
    %add3A = arith.addf %get3A_2, %mul3A_25 : vector<16x256x64xf32>
    %broadcast_in_dim3A_26 = vector.shape_cast %get3A_13 : vector<64xf32> to vector<1x1x64xf32>
    %mul3A_27 = vector.broadcast %broadcast_in_dim3A_22 : vector<16x256x1xf32> to vector<16x256x64xf32>
    %mul3A_28 = vector.broadcast %broadcast_in_dim3A_26 : vector<1x1x64xf32> to vector<16x256x64xf32>
    %mul3A_29 = arith.mulf %mul3A_27, %mul3A_28 : vector<16x256x64xf32>
    %add3A_30 = arith.addf %add3A, %mul3A_29 : vector<16x256x64xf32>
    %swap3A = arith.constant 0 : index
    %swap3A_31 = arith.constant 0 : index
    %swap3A_32 = arith.constant 0 : index
    %swap3A_33 = vector.load %arg4[%swap3A, %swap3A_31, %swap3A_32] : memref<16x256x64xf32, #tpu.memory_space<vmem>>, vector<16x256x64xf32>
    tpu.vector_store %arg4[%swap3A, %swap3A_31, %swap3A_32], %add3A_30 {strides = array<i32>} : memref<16x256x64xf32, #tpu.memory_space<vmem>>, vector<16x256x64xf32>,
    return
  }
  func.func @transform_0(%arg0: i32) -> (i32, i32, i32) {
    %c0_i32 = arith.constant 0 : i32
    %c0_i32_0 = arith.constant 0 : i32
    %c0_i32_1 = arith.constant 0 : i32
    return %arg0, %c0_i32, %c0_i32_0 : i32, i32, i32
  }
  func.func @transform_1(%arg0: i32) -> (i32, i32) {
    %c0_i32 = arith.constant 0 : i32
    %c0_i32_0 = arith.constant 0 : i32
    return %arg0, %c0_i32 : i32, i32
  }
  func.func @transform_2(%arg0: i32) -> (i32, i32) {
    %c0_i32 = arith.constant 0 : i32
    %c0_i32_0 = arith.constant 0 : i32
    %c0_i32_1 = arith.constant 0 : i32
    return %c0_i32, %c0_i32_0 : i32, i32
  }
  func.func @transform_3(%arg0: i32) -> (i32, i32, i32) {
    %c0_i32 = arith.constant 0 : i32
    %c0_i32_0 = arith.constant 0 : i32
    %c0_i32_1 = arith.constant 0 : i32
    return %arg0, %c0_i32, %c0_i32_0 : i32, i32, i32
  }
}

</mosaic_0001>

<sc_bundles>
// kernel: kernel.4.cloned.1.call-start
scs
__scs_entry_jumppad:
0x0: {  	(pc) =	sbr.rel $0x88, $3  }
0x1: {  	(tag) =	ssettag $0x0;
	lr =	simm.s32 $0x1  }
0x2: {  	[smem:$0x3F9D] =	sst lr;
	_ =	strace $0xD0000000  }
0x3: {  	_ = 	snop  }
0x4: {  	_ = 	snop  }
0x5: {  	_ = 	snop  }
0x6: {  	_ = 	snop  }
0x7: {  	_ = 	snop  }
__scs_overlays_trampoline_lowered:
0x8: {  	[smem:$0x3FAC] =	sst s0  }
0x9: {  	[smem:$0x3FAD] =	sst s1  }
0xa: {  	[smem:$0x3FAE] =	sst s2  }
0xb: {  	[smem:$0x3FAF] =	sst s3  }
0xc: {  	[smem:$0x3FB0] =	sst s4  }
0xd: {  	[smem:$0x3FB1] =	sst s5  }
0xe: {  	[smem:$0x3FB2] =	sst s6  }
0xf: {  	[smem:$0x3FB3] =	sst s7  }
0x10: {  	[smem:$0x3FB4] =	sst s8  }
0x11: {  	[smem:$0x3FB5] =	sst s9;
	s0 =	simm.s32 @!p0 $0x0  }
0x12: {  	s1 =	sld [smem:$0x3F9B];
	s0 =	simm.s32 @p0 $0x1  }
0x13: {  	[smem:$0x3FB6] =	sst s0;
	s0 =	simm.s32 @!p1 $0x0  }
0x14: {  	s2 =	sld [smem:$0x3F9A];
	s0 =	simm.s32 @p1 $0x1  }
0x15: {  	[smem:$0x3FB7] =	sst s0;
	s0 =	simm.s32 @!p2 $0x0  }
0x16: {  	s3 =	sld [smem:$0x3FDB];
	s0 =	simm.s32 @p2 $0x1  }
0x17: {  	s4 =	simm.s32 $0x1BF5;
	[smem:$0x3FB9] =	sst s0  }
0x18: {  	s0 =	sld [smem:$0x3F9C];
	_ =	swait.ge [sflag:s4], $0x0  }
0x19: {  	s7 =	sld [smem:$0x3F9D]  }
0x1a: {  	s8 =	sadd.s32 $0xFFFFE003, lr  }
0x1b: {  	s9 =	sadd.s32 $0xFFFFFEF7, lr;
	s5 =	simm.s32 $0xFFFFFFFF;
	p2 =	slt.u32 s8, $0xFFFFF086  }
0x1c: {  	p1 =	slt.u32 s9, $0xF7A;
	s5 =	simm.s32 @!p2 $0x0  }
0x1d: {  	s5 =	simm.s32 @p1 $0x1;
	p0 =	seq.s32 s7, s2  }
0x1e: {  	s7 =	smul.u32 @!p0 $0xF7A, s2;
	p2 =	seq.s32 @!p0 s5, $0x0  }
0x1f: {  	s9 =	smul.u32 $0xF7A, s1;
	s8 =	simm.s32 @!p0 $0x1BF5;
	p2 =	por !p2, p0  }
0x20: {  	[sflag:s8] =	ssyncset.s32 @!p0 $0xFFFFF086;
	s6 =	sadd.s32 @!p0 s3, s7;
	s7 =	simm.s32 @!p0 $0x108  }
0x21: {  	s3 =	sadd.s32 s3, s9;
	s6 =	sadd.s32 @!p0 $0x88, s6;
	s7 =	simm.s32 @p2 $0x1082  }
0x22: {  	[simem:s7], [sflag:s8] =	dma.local @!p0 [hbm:s6], $0xF7A  }
0x23: {  	s9 =	sor.u32 $0xD0000000, s2;
	s6 =	simm.s32 $0x108;
	_ =	swait.ge @!p0 [sflag:s8], $0x0  }
0x24: {  	s3 =	sadd.s32 $0x88, s3;
	s6 =	simm.s32 @!p1 $0x1082;
	[sflag:s4] =	ssyncset.s32 $0xFFFFF086  }
0x25: {  	[simem:s6], [sflag:s4] =	dma.local [hbm:s3], $0xF7A  }
0x26: {  	[smem:$0x3F9D] =	sst s1;
	(tag) =	ssettag s2;
	_ =	strace s9  }
0x27: {  	s1 =	sld [smem:$0x3FAD]  }
0x28: {  	s2 =	sld [smem:$0x3FAE]  }
0x29: {  	s4 =	sld [smem:$0x3FB0]  }
0x2a: {  	p0 =	seq.s32 s5, $0x0;
	s5 =	sld [smem:$0x3FB1]  }
0x2b: {  	s6 =	sld [smem:$0x3FB2]  }
0x2c: {  	s7 =	sld [smem:$0x3FB3]  }
0x2d: {  	s3 =	simm.s32 $0x108;
	s8 =	sld [smem:$0x3FB4]  }
0x2e: {  	s3 =	simm.s32 @!p0 $0x1082;
	s9 =	sld [smem:$0x3FB5]  }
0x2f: {  	lr =	sadd.s32 s0, s3;
	s0 =	sld [smem:$0x3FAC]  }
0x30: {  	s3 =	sld [smem:$0x3FAF]  }
0x31: {  	[smem:$0x3FB8] =	sst s10  }
0x32: {  	s10 =	sld [smem:$0x3FB6];
	_ =	sdelay $0x3  }
0x33: {  	p0 =	seq.s32 s10, $0x1;
	s10 =	sld [smem:$0x3FB8];
	_ =	sdelay $0x3  }
0x34: {  	[smem:$0x3FB8] =	sst s10  }
0x35: {  	s10 =	sld [smem:$0x3FB7];
	_ =	sdelay $0x3  }
0x36: {  	p1 =	seq.s32 s10, $0x1;
	s10 =	sld [smem:$0x3FB8];
	_ =	sdelay $0x3  }
0x37: {  	[smem:$0x3FB8] =	sst s10  }
0x38: {  	s10 =	sld [smem:$0x3FB9]  }
0x39: {  	_ = 	snop;
	(pc) =	sbr.ind lr, $3  }
0x3a: {  	_ = 	snop  }
0x3b: {  	_ = 	snop  }
0x3c: {  	p2 =	seq.s32 s10, $0x1;
	s10 =	sld [smem:$0x3FB8]  }
0x3d: {  	_ =	shalt  }
0x3e: {  	_ =	shalt  }
0x3f: {  	_ =	shalt  }
0x40: {  	_ =	shalt  }
0x41: {  	_ =	shalt  }
0x42: {  	_ =	shalt  }
0x43: {  	_ =	shalt  }
0x44: {  	_ =	shalt  }
0x45: {  	_ =	shalt  }
0x46: {  	_ =	shalt  }
0x47: {  	_ =	shalt  }
0x48: {  	_ =	shalt  }
0x49: {  	_ =	shalt  }
0x4a: {  	_ =	shalt  }
0x4b: {  	_ =	shalt  }
0x4c: {  	_ =	shalt  }
0x4d: {  	_ =	shalt  }
0x4e: {  	_ =	shalt  }
0x4f: {  	_ =	shalt  }
0x50: {  	_ =	shalt  }
0x51: {  	_ =	shalt  }
0x52: {  	_ =	shalt  }
0x53: {  	_ =	shalt  }
0x54: {  	_ =	shalt  }
0x55: {  	_ =	shalt  }
0x56: {  	_ =	shalt  }
0x57: {  	_ =	shalt  }
0x58: {  	_ =	shalt  }
0x59: {  	_ =	shalt  }
0x5a: {  	_ =	shalt  }
0x5b: {  	_ =	shalt  }
0x5c: {  	_ =	shalt  }
0x5d: {  	_ =	shalt  }
0x5e: {  	_ =	shalt  }
0x5f: {  	_ =	shalt  }
0x60: {  	_ =	shalt  }
0x61: {  	_ =	shalt  }
0x62: {  	_ =	shalt  }
0x63: {  	_ =	shalt  }
0x64: {  	_ =	shalt  }
0x65: {  	_ =	shalt  }
0x66: {  	_ =	shalt  }
0x67: {  	_ =	shalt  }
0x68: {  	_ =	shalt  }
0x69: {  	_ =	shalt  }
0x6a: {  	_ =	shalt  }
0x6b: {  	_ =	shalt  }
0x6c: {  	_ =	shalt  }
0x6d: {  	_ =	shalt  }
0x6e: {  	_ =	shalt  }
0x6f: {  	_ =	shalt  }
0x70: {  	_ =	shalt  }
0x71: {  	_ =	shalt  }
0x72: {  	_ =	shalt  }
0x73: {  	_ =	shalt  }
0x74: {  	_ =	shalt  }
0x75: {  	_ =	shalt  }
0x76: {  	_ =	shalt  }
0x77: {  	_ =	shalt  }
0x78: {  	_ =	shalt  }
0x79: {  	_ =	shalt  }
0x7a: {  	_ =	shalt  }
0x7b: {  	_ =	shalt  }
0x7c: {  	_ =	shalt  }
0x7d: {  	_ =	shalt  }
0x7e: {  	_ =	shalt  }
0x7f: {  	_ =	shalt  }
0x80: {  	_ =	shalt  }
0x81: {  	_ =	shalt  }
0x82: {  	_ =	shalt  }
0x83: {  	_ =	shalt  }
0x84: {  	_ =	shalt  }
0x85: {  	_ =	shalt  }
0x86: {  	_ =	shalt  }
0x87: {  	_ =	shalt  }
.Lfunc_end0:
.L_simem_size_0:
called_computation.1_lowered:
.L_overlay_start_0:
0x88: {  	s2 =	sld [smem:$0x3FD9]  }
0x89: {  	s3 =	sld [smem:$0x3FFE];
	_ =	sdelay $0x1  }
0x8a: {  	s1 =	srdreg.scid  }
0x8b: {  	s0 =	sand.u32 $0x1, s1  }
0x8c: {  	s17 =	sshll.u32 s0, $0xA;
	s2 =	sadd.s32 s3, s2  }
0x8d: {  	s2 =	sadd.s32 s2, s17  }
0x8e: {  	[smem:$0x3FC4] =	sst s2  }
0x8f: {  	_ = 	snop  }
0x90: {  	s2 =	sld [smem:$0x3FC7]  }
0x91: {  	s18 =	sld [smem:$0x3FC6]  }
0x92: {  	s4 =	sld [smem:$0x3FD0];
	(tm) =	ssettm $0x1  }
0x93: {  	s5 =	sld [smem:$0x3FFB];
	_ =	sdelay $0x3  }
0x94: {  	_ =	strace s5  }
0x95: {  	s5 =	sld [smem:$0x3FFC];
	_ =	sdelay $0x3  }
0x96: {  	_ =	strace s5  }
0x97: {  	s5 =	sld [smem:$0x3FFD];
	_ =	sdelay $0x3  }
0x98: {  	_ =	strace s5  }
0x99: {  	_ =	strace $0x8FFFFFFF  }
0x9a: {  	s19 =	sld [smem:$0x3FDB];
	_ =	sdelay $0x1  }
0x9b: {  	s6 =	simm.s32 $_scs_section_size  }
0x9c: {  	s7 =	simm.s32 $_size__tile_overlayer_lowered;
	s8 =	simm.s32 $_tile_overlayer_lowered  }
0x9d: {  	s22 =	simm.s32 $0x1BFF;
	s21 =	sshll.u32 s8, $0x1;
	s5 =	sadd.s32 s6, s19  }
0x9e: {  	s9 =	simm.s32 $0x0;
	s20 =	sshll.u32 s7, $0x1;
	s7 =	sadd.s32 s21, s5  }
0x9f: {  	[timem:s9], [sflag:s22] =	dma.local [hbm:s7], s20  }
0xa0: {  	_ =	swait.ge [sflag:s22], s20  }
0xa1: {  	s6 =	ssub.s32 $0x0, s20;
	[sflag:s22] =	ssyncset.done $0x0  }
0xa2: {  	[sflag:s22] =	ssyncadd.s32 s6;
	_ =	sdelay $0x1  }
0xa3: {  	s23 =	simm.s32 $0x1B8B  }
0xa4: {  	_ =	swait.ge [sflag:s23], $0x1  }
0xa5: {  	[sflag:s23] =	ssyncset.done $0x0  }
0xa6: {  	s25 =	simm.s32 $0x1B8E;
	s24 =	sld [smem:$0x3FFE];
	[sflag:s23] =	ssyncadd.s32 $0xFFFFFFFF  }
0xa7: {  	s26 =	simm.s32 $execute0_lowered;
	[smem:$0x3FD2] =	sst s25  }
0xa8: {  	s7 =	sshll.u32 s26, $0x1;
	_ =	strace $0x80000046;
	[dreg:$0x1] =	wrdreg $0xFFFFFFFF  }
0xa9: {  	s28 =	simm.s32 $_size_execute0_lowered;
	s5 =	sadd.s32 s5, s7;
	[dreg:$0x0] =	wrdreg $0x0  }
0xaa: {  	s7 =	sshll.u32 s28, $0x1;
	[dreg:$0x2] =	wrdreg s5  }
0xab: {  	[dreg:$0x3] =	wrdreg s7  }
0xac: {  	[dreg:$0x4] =	wrdreg $0xC0  }
0xad: {  	_ =	task [dreg:s9], $0x5FFFF  }
0xae: {  	[dreg:$0x1] =	wrdreg $0xFFFFFFFF  }
0xaf: {  	[dreg:$0x0] =	wrdreg $0x60  }
0xb0: {  	[dreg:$0x2] =	wrdreg s18  }
0xb1: {  	[dreg:$0x3] =	wrdreg s2  }
0xb2: {  	[dreg:$0x4] =	wrdreg s24  }
0xb3: {  	[dreg:$0x5] =	wrdreg s4  }
0xb4: {  	[dreg:$0x6] =	wrdreg $0x9  }
0xb5: {  	_ =	task.clear_ibuf [dreg:s9], $0x7FFFF;
	_ =	strace $0x90000046  }
0xb6: {  	s29 =	simm.s32 $0x9;
	_ =	strace $0x80000048  }
0xb7: {  	_ =	swait.ge [sflag:s29], $0x1  }
0xb8: {  	[sflag:s29] =	ssyncadd.s32 $0xFFFFFFFF  }
0xb9: {  	_ =	strace $0x90000048  }
0xba: {  	_ =	sfence  }
0xbb: {  	s30 =	sld [smem:$0x0];
	_ =	sdelay $0x2  }
0xbc: {  	s31 =	sshll.u32 s1, $0xD;
	s1 =	sshrl.u32 s1, $0x2  }
0xbd: {  	s3 =	sand.u32 $0x4000, s31;
	s1 =	sadd.s32 s1, s30  }
0xbe: {  	s0 =	sor.u32 s3, s0;
	s1 =	sshll.u32 s1, $0x11  }
0xbf: {  	s0 =	sor.u32 s1, s0  }
0xc0: {  	s0 =	sadd.s32 $0x8F2B, s0  }
0xc1: {  	[sflag:s0] =	ssyncadd.remote.s32 $0x1  }
0xc2: {  	_ =	sfence.sel $0xFFFF  }
0xc3: {  	[dreg:$0x0] =	wrdreg $0xFFFFFFFF;
	(pc) =	sbr.abs _section_cstart, $3  }
0xc4: {  	[dreg:$0x1] =	wrdreg $0xFFFFFFFF  }
0xc5: {  	_ =	task.clear_ibuf [dreg:s9], $0x2FFFF;
	_ =	strace $0x9FFFFFFF  }
0xc6: {  	(tm) =	ssettm $0x7FFFFFFF  }
0xc7: {  	_ =	shalt  }
tec
execute0_lowered:
.L_overlay_start_1:
0x0: {  	(tag) =	ssettag $0x1  }
0x1: {  	s1 =	stileid.u32  }
0x2: {  	s4 =	rddreg [dreg:$0x0];
	p0 =	sgt.u32 s1, $0x3  }
.Ltmp0:
0x3: {  	s6 =	rddreg [dreg:$0x1];
	(pc) =	sbr.rel @p0 .LBB2_7-.Ltmp0, $4  }
0x4: {  	s3 =	rddreg [dreg:$0x2]  }
0x5: {  	s8 =	rddreg [dreg:$0x3];
	s2 =	simm.s32 $0x0  }
0x6: {  	[smem:$0x7FF] =	sst s2  }
0x7: {  	s0 =	rddreg [dreg:$0x4];
	_ =	strace $0x80000047  }
0x8: {  	s5 =	srdreg.scid;
	s7 =	sshll.u32 s1, $0x1  }
0x9: {  	s3 =	sadd.s32 $0xA00, s3;
	s12 =	simm.s32 $0x100;
	s13 =	simm.s32 $0x10000  }
0xa: {  	s14 =	simm.s32 $0x12000;
	s15 =	simm.s32 $0x14000;
	s5 =	sand.u32 $0x1, s5  }
0xb: {  	s16 =	simm.s32 $0x15000;
	s17 =	simm.s32 $0x400;
	s7 =	sor.u32 s5, s7  }
0xc: {  	s18 =	simm.s32 $0x0;
	s30 =	ssub.s32 $0x2, s5;
	s9 =	sshll.u32 s7, $0xB  }
0xd: {  	s10 =	sshll.u32 s7, $0xA;
	s11 =	sshrl.u32 s30, $0x1;
	s31 =	sshll.u32 s7, $0x4  }
0xe: {  	s4 =	sadd.s32 s4, s9;
	s6 =	sadd.s32 s6, s10;
	s9 =	ssub.s32 s30, s11  }
0xf: {  	s8 =	sadd.s32 s8, s31;
	s10 =	simm.s32 $0x1;
	s11 =	simm.s32 $0x80  }
0x10: {  	v0 =	vimm.s32 $0xFFFFFFFF;
	v1 =	vimm.s32 $0x2;
	s5 =	sadd.s32 $0x10, s4;
	s7 =	sadd.s32 $0x10, s6;
	s9 =	smax.u32 s9, $0x1  }
.LBB2_2:
0x11: {  	[tilespmem:s2], [sflag:$0x1] =	stream.linear.gather [hbm4b:s3+s2], $0x10000, $0x38;
	[tilespmem:$0x16000] =	vst v63  }
0x12: {  	_ =	swait.ge [sflag:s10], $0x10000  }
0x13: {  	[sflag:s10] =	ssyncset.done $0x0  }
0x14: {  	[sflag:s10] =	ssyncadd.s32 $0xFFFF0000  }
0x15: {  	[tilespmem:s13], [sflag:$0x1] =	stream.strided.gather [hbm4b:s4+s11], $0x2000, s12, s11, $0x38;
	[tilespmem:$0x16000] =	vst v63  }
0x16: {  	_ =	swait.ge [sflag:s10], $0x2000  }
0x17: {  	[sflag:s10] =	ssyncset.done $0x0  }
0x18: {  	[sflag:s10] =	ssyncadd.s32 $0xFFFFE000  }
0x19: {  	[tilespmem:s14], [sflag:$0x1] =	stream.strided.gather [hbm4b:s5+s11], $0x2000, s12, s11, $0x38;
	[tilespmem:$0x16000] =	vst v63  }
0x1a: {  	_ =	swait.ge [sflag:s10], $0x2000  }
0x1b: {  	[sflag:s10] =	ssyncset.done $0x0  }
0x1c: {  	[sflag:s10] =	ssyncadd.s32 $0xFFFFE000  }
0x1d: {  	[tilespmem:s15], [sflag:$0x1] =	stream.strided.gather [hbm4b:s6+s11], $0x1000, s12, s11, $0x38;
	[tilespmem:$0x16000] =	vst v63  }
0x1e: {  	_ =	swait.ge [sflag:s10], $0x1000  }
0x1f: {  	[sflag:s10] =	ssyncset.done $0x0  }
0x20: {  	[sflag:s10] =	ssyncadd.s32 $0xFFFFF000  }
0x21: {  	[tilespmem:s16], [sflag:$0x1] =	stream.strided.gather [hbm4b:s7+s11], $0x1000, s12, s11, $0x38;
	[tilespmem:$0x16000] =	vst v63  }
0x22: {  	_ =	swait.ge [sflag:s10], $0x1000  }
0x23: {  	[sflag:s10] =	ssyncset.done $0x0  }
0x24: {  	s19 =	simm.s32 $0x10040;
	[sflag:s10] =	ssyncadd.s32 $0xFFFFF000  }
0x25: {  	s20 =	simm.s32 $0x12040;
	v2 =	vld [tilespmem:s19+$0x30]  }
0x26: {  	v3 =	vld [tilespmem:s20+$0x30]  }
0x27: {  	v4 =	vld [tilespmem:s19+$0xFFFFFFD0]  }
0x28: {  	v5 =	vld [tilespmem:s19+$0xFFFFFFE0]  }
0x29: {  	v6 =	vld [tilespmem:s19+$0xFFFFFFF0]  }
0x2a: {  	v7 =	vld [tilespmem:s19+$0x0]  }
0x2b: {  	v8 =	vld [tilespmem:s19+$0x10]  }
0x2c: {  	v9 =	vld [tilespmem:s19+$0xFFFFFFC0]  }
0x2d: {  	v10 =	vld [tilespmem:s20+$0xFFFFFFC0]  }
0x2e: {  	v11 =	vld [tilespmem:s20+$0xFFFFFFD0]  }
0x2f: {  	v12 =	vld [tilespmem:s20+$0xFFFFFFE0];
	v2 =	vshll.u32 v2, $0x8  }
0x30: {  	v62 =	vld [tilespmem:s20+$0x20];
	v3 =	vand.u32 $0xFF, v3;
	v2 =	vand.u32 $0xFF00, v2  }
0x31: {  	v13 =	vld [tilespmem:s19+$0x20];
	v4 =	vshll.u32 v4, $0x8;
	v2 =	vor.u32 v3, v2;
	v3 =	vshll.u32 v9, $0x8  }
0x32: {  	v59 =	vld [tilespmem:s20+$0xFFFFFFF0];
	v10 =	vand.u32 $0xFF, v10;
	v5 =	vshll.u32 v5, $0x8;
	v3 =	vand.u32 $0xFF00, v3  }
0x33: {  	v14 =	vld [tilespmem:s20+$0x0];
	v60 =	vand.u32 $0xFF, v11;
	v4 =	vand.u32 $0xFF00, v4;
	v3 =	vor.u32 v10, v3  }
0x34: {  	v61 =	vld [tilespmem:s20+$0x10];
	v5 =	vand.u32 $0xFF00, v5;
	v10 =	vor.u32 v60, v4;
	v4 =	vand.u32 $0xFF, v12  }
0x35: {  	v63 =	vand.u32 $0xFF, v62;
	v15 =	vor.u32 v4, v5;
	v4 =	vshll.u32 v6, $0x8  }
0x36: {  	v5 =	vshll.u32 v7, $0x8;
	v6 =	vshll.u32 v8, $0x8;
	v7 =	vshll.u32 v13, $0x8  }
0x37: {  	v4 =	vand.u32 $0xFF00, v4;
	v5 =	vand.u32 $0xFF00, v5;
	[tilespmem:v2+s2+$0x0] =	vst.idx.add.s32.msk $0xffff, v0;
	v2 =	vand.u32 $0xFF, v59  }
0x38: {  	v6 =	vand.u32 $0xFF00, v6;
	v2 =	vor.u32 v2, v4;
	v4 =	vand.u32 $0xFF, v14;
	[tilespmem:v3+s2+$0x0] =	vst.idx.add.s32.msk $0xffff, v0  }
0x39: {  	s22 =	simm.s32 $0x0;
	v7 =	vand.u32 $0xFF00, v7;
	v4 =	vor.u32 v4, v5;
	v3 =	vand.u32 $0xFF, v61;
	[tilespmem:v10+s2+$0x0] =	vst.idx.add.s32.msk $0xffff, v0  }
0x3a: {  	s21 =	simm.s32 $0x14040;
	s23 =	simm.s32 $0x100C0;
	s19 =	simm.s32 $0x15040;
	v5 =	vor.u32 v3, v6;
	[tilespmem:v15+s2+$0x0] =	vst.idx.add.s32.msk $0xffff, v0;
	v3 =	vor.u32 v63, v7  }
.LBB2_3:
0x3b: {  	v6 =	vld [tilespmem:s23+$0x30];
	s22 =	sadd.s32 $0x80, s22;
	s20 =	sadd.s32 $0x80, s20  }
0x3c: {  	v7 =	vld [tilespmem:s20+$0x30];
	p0 =	slt.u32 s22, $0x1F80  }
0x3d: {  	v8 =	vld [tilespmem:s23+$0xFFFFFFD0]  }
0x3e: {  	v9 =	vld [tilespmem:s23+$0xFFFFFFE0]  }
0x3f: {  	v10 =	vld [tilespmem:s23+$0xFFFFFFF0]  }
0x40: {  	v11 =	vld [tilespmem:s23+$0x0];
	v6 =	vshll.u32 v6, $0x8  }
0x41: {  	v12 =	vld [tilespmem:s23+$0x10];
	v6 =	vand.u32 $0xFF00, v6;
	v7 =	vand.u32 $0xFF, v7  }
0x42: {  	v8 =	vshll.u32 v8, $0x8;
	v13 =	vld [tilespmem:s23+$0x20];
	v6 =	vor.u32 v7, v6  }
0x43: {  	v7 =	vld [tilespmem:s23+$0xFFFFFFC0];
	v8 =	vand.u32 $0xFF00, v8;
	v9 =	vshll.u32 v9, $0x8  }
0x44: {  	v14 =	vld [tilespmem:s20+$0xFFFFFFC0];
	v9 =	vand.u32 $0xFF00, v9;
	v10 =	vshll.u32 v10, $0x8  }
0x45: {  	v15 =	vld [tilespmem:s20+$0xFFFFFFD0];
	v10 =	vand.u32 $0xFF00, v10;
	v11 =	vshll.u32 v11, $0x8  }
0x46: {  	v16 =	vld [tilespmem:s20+$0xFFFFFFE0];
	v11 =	vand.u32 $0xFF00, v11;
	v12 =	vshll.u32 v12, $0x8  }
0x47: {  	v12 =	vand.u32 $0xFF00, v12;
	v13 =	vshll.u32 v13, $0x8;
	[tilespmem:v6+s2+$0x0] =	vst.idx.add.s32.msk $0xffff, v0  }
0x48: {  	v6 =	vshll.u32 v7, $0x8;
	v7 =	vld [tilespmem:s20+$0xFFFFFFF0];
	v13 =	vand.u32 $0xFF00, v13  }
0x49: {  	v6 =	vand.u32 $0xFF00, v6;
	v14 =	vand.u32 $0xFF, v14;
	v17 =	vld [tilespmem:s20+$0x0]  }
0x4a: {  	v6 =	vor.u32 v14, v6;
	v14 =	vand.u32 $0xFF, v15;
	v15 =	vld [tilespmem:s20+$0x10]  }
0x4b: {  	v8 =	vor.u32 v14, v8;
	v14 =	vand.u32 $0xFF, v16;
	v16 =	vld [tilespmem:s20+$0x20]  }
0x4c: {  	v9 =	vor.u32 v14, v9;
	[tilespmem:v2+s2+$0x0] =	vst.idx.add.s32.msk $0xffff, v0  }
0x4d: {  	v2 =	vand.u32 $0xFF, v7;
	[tilespmem:v4+s2+$0x0] =	vst.idx.add.s32.msk $0xffff, v0  }
.Ltmp1:
0x4e: {  	v2 =	vor.u32 v2, v10;
	v4 =	vand.u32 $0xFF, v17;
	[tilespmem:v5+s2+$0x0] =	vst.idx.add.s32.msk $0xffff, v0;
	(pc) =	sbr.rel @p0 .LBB2_3-.Ltmp1, $4  }
0x4f: {  	[tilespmem:v6+s2+$0x0] =	vst.idx.add.s32.msk $0xffff, v0;
	v4 =	vor.u32 v4, v11;
	v5 =	vand.u32 $0xFF, v15  }
0x50: {  	[tilespmem:v8+s2+$0x0] =	vst.idx.add.s32.msk $0xffff, v0;
	v5 =	vor.u32 v5, v12;
	v6 =	vand.u32 $0xFF, v16  }
0x51: {  	[tilespmem:v9+s2+$0x0] =	vst.idx.add.s32.msk $0xffff, v0;
	v6 =	vor.u32 v6, v13  }
0x52: {  	s23 =	sadd.s32 $0x80, s23;
	[tilespmem:v3+s2+$0x0] =	vst.idx.add.s32.msk $0xffff, v0;
	v3 =	vmov v6  }
0x53: {  	_ =	sdelay $0x3  }
0x54: {  	[tilespmem:v2+s2+$0x0] =	vst.idx.add.s32.msk $0xffff, v0  }
0x55: {  	[tilespmem:v4+s2+$0x0] =	vst.idx.add.s32.msk $0xffff, v0  }
0x56: {  	[tilespmem:v5+s2+$0x0] =	vst.idx.add.s32.msk $0xffff, v0  }
0x57: {  	[tilespmem:v3+s2+$0x0] =	vst.idx.add.s32.msk $0xffff, v0  }
0x58: {  	v2 =	vld [tilespmem:s21+$0x30]  }
0x59: {  	v3 =	vld [tilespmem:s19+$0x30]  }
0x5a: {  	v4 =	vld [tilespmem:s21+$0xFFFFFFD0]  }
0x5b: {  	v5 =	vld [tilespmem:s21+$0xFFFFFFE0]  }
0x5c: {  	v6 =	vld [tilespmem:s21+$0xFFFFFFF0]  }
0x5d: {  	v7 =	vld [tilespmem:s21+$0x0]  }
0x5e: {  	v8 =	vld [tilespmem:s21+$0x10]  }
0x5f: {  	v9 =	vld [tilespmem:s21+$0xFFFFFFC0]  }
0x60: {  	v10 =	vld [tilespmem:s19+$0xFFFFFFC0]  }
0x61: {  	v11 =	vld [tilespmem:s19+$0xFFFFFFD0]  }
0x62: {  	v12 =	vld [tilespmem:s19+$0xFFFFFFE0];
	v2 =	vshll.u32 v2, $0x8  }
0x63: {  	v62 =	vld [tilespmem:s19+$0x20];
	v3 =	vand.u32 $0xFF, v3;
	v2 =	vand.u32 $0xFF00, v2  }
0x64: {  	v13 =	vld [tilespmem:s21+$0x20];
	v4 =	vshll.u32 v4, $0x8;
	v2 =	vor.u32 v3, v2;
	v3 =	vshll.u32 v9, $0x8  }
0x65: {  	v59 =	vld [tilespmem:s19+$0xFFFFFFF0];
	v10 =	vand.u32 $0xFF, v10;
	v5 =	vshll.u32 v5, $0x8;
	v3 =	vand.u32 $0xFF00, v3  }
0x66: {  	v14 =	vld [tilespmem:s19+$0x0];
	v60 =	vand.u32 $0xFF, v11;
	v4 =	vand.u32 $0xFF00, v4;
	v3 =	vor.u32 v10, v3  }
0x67: {  	v61 =	vld [tilespmem:s19+$0x10];
	v5 =	vand.u32 $0xFF00, v5;
	v10 =	vor.u32 v60, v4;
	v4 =	vand.u32 $0xFF, v12  }
0x68: {  	v63 =	vand.u32 $0xFF, v62;
	v15 =	vor.u32 v4, v5;
	v4 =	vshll.u32 v6, $0x8  }
0x69: {  	v5 =	vshll.u32 v7, $0x8;
	v6 =	vshll.u32 v8, $0x8;
	v7 =	vshll.u32 v13, $0x8  }
0x6a: {  	v4 =	vand.u32 $0xFF00, v4;
	v5 =	vand.u32 $0xFF00, v5;
	[tilespmem:v2+s2+$0x0] =	vst.idx.add.s32.msk $0xffff, v1;
	v2 =	vand.u32 $0xFF, v59  }
0x6b: {  	v6 =	vand.u32 $0xFF00, v6;
	v2 =	vor.u32 v2, v4;
	v4 =	vand.u32 $0xFF, v14;
	[tilespmem:v3+s2+$0x0] =	vst.idx.add.s32.msk $0xffff, v1  }
0x6c: {  	v7 =	vand.u32 $0xFF00, v7;
	v4 =	vor.u32 v4, v5;
	v3 =	vand.u32 $0xFF, v61;
	[tilespmem:v10+s2+$0x0] =	vst.idx.add.s32.msk $0xffff, v1  }
0x6d: {  	s20 =	simm.s32 $0x0;
	s21 =	simm.s32 $0x140C0;
	v5 =	vor.u32 v3, v6;
	[tilespmem:v15+s2+$0x0] =	vst.idx.add.s32.msk $0xffff, v1;
	v3 =	vor.u32 v63, v7  }
.LBB2_5:
0x6e: {  	v6 =	vld [tilespmem:s21+$0x30];
	s20 =	sadd.s32 $0x80, s20;
	s19 =	sadd.s32 $0x80, s19  }
0x6f: {  	v7 =	vld [tilespmem:s19+$0x30];
	p0 =	slt.u32 s20, $0xF80  }
0x70: {  	v8 =	vld [tilespmem:s21+$0xFFFFFFD0]  }
0x71: {  	v9 =	vld [tilespmem:s21+$0xFFFFFFE0]  }
0x72: {  	v10 =	vld [tilespmem:s21+$0xFFFFFFF0]  }
0x73: {  	v11 =	vld [tilespmem:s21+$0x0];
	v6 =	vshll.u32 v6, $0x8  }
0x74: {  	v12 =	vld [tilespmem:s21+$0x10];
	v6 =	vand.u32 $0xFF00, v6;
	v7 =	vand.u32 $0xFF, v7  }
0x75: {  	v8 =	vshll.u32 v8, $0x8;
	v13 =	vld [tilespmem:s21+$0x20];
	v6 =	vor.u32 v7, v6  }
0x76: {  	v7 =	vld [tilespmem:s21+$0xFFFFFFC0];
	v8 =	vand.u32 $0xFF00, v8;
	v9 =	vshll.u32 v9, $0x8  }
0x77: {  	v14 =	vld [tilespmem:s19+$0xFFFFFFC0];
	v9 =	vand.u32 $0xFF00, v9;
	v10 =	vshll.u32 v10, $0x8  }
0x78: {  	v15 =	vld [tilespmem:s19+$0xFFFFFFD0];
	v10 =	vand.u32 $0xFF00, v10;
	v11 =	vshll.u32 v11, $0x8  }
0x79: {  	v16 =	vld [tilespmem:s19+$0xFFFFFFE0];
	v11 =	vand.u32 $0xFF00, v11;
	v12 =	vshll.u32 v12, $0x8  }
0x7a: {  	v12 =	vand.u32 $0xFF00, v12;
	v13 =	vshll.u32 v13, $0x8;
	[tilespmem:v6+s2+$0x0] =	vst.idx.add.s32.msk $0xffff, v1  }
0x7b: {  	v6 =	vshll.u32 v7, $0x8;
	v7 =	vld [tilespmem:s19+$0xFFFFFFF0];
	v13 =	vand.u32 $0xFF00, v13  }
0x7c: {  	v6 =	vand.u32 $0xFF00, v6;
	v14 =	vand.u32 $0xFF, v14;
	v17 =	vld [tilespmem:s19+$0x0]  }
0x7d: {  	v6 =	vor.u32 v14, v6;
	v14 =	vand.u32 $0xFF, v15;
	v15 =	vld [tilespmem:s19+$0x10]  }
0x7e: {  	v8 =	vor.u32 v14, v8;
	v14 =	vand.u32 $0xFF, v16;
	v16 =	vld [tilespmem:s19+$0x20]  }
0x7f: {  	v9 =	vor.u32 v14, v9;
	[tilespmem:v2+s2+$0x0] =	vst.idx.add.s32.msk $0xffff, v1  }
0x80: {  	v2 =	vand.u32 $0xFF, v7;
	[tilespmem:v4+s2+$0x0] =	vst.idx.add.s32.msk $0xffff, v1  }
.Ltmp2:
0x81: {  	v2 =	vor.u32 v2, v10;
	v4 =	vand.u32 $0xFF, v17;
	[tilespmem:v5+s2+$0x0] =	vst.idx.add.s32.msk $0xffff, v1;
	(pc) =	sbr.rel @p0 .LBB2_5-.Ltmp2, $4  }
0x82: {  	[tilespmem:v6+s2+$0x0] =	vst.idx.add.s32.msk $0xffff, v1;
	v4 =	vor.u32 v4, v11;
	v5 =	vand.u32 $0xFF, v15  }
0x83: {  	[tilespmem:v8+s2+$0x0] =	vst.idx.add.s32.msk $0xffff, v1;
	v5 =	vor.u32 v5, v12;
	v6 =	vand.u32 $0xFF, v16  }
0x84: {  	[tilespmem:v9+s2+$0x0] =	vst.idx.add.s32.msk $0xffff, v1;
	v6 =	vor.u32 v6, v13  }
0x85: {  	s21 =	sadd.s32 $0x80, s21;
	[tilespmem:v3+s2+$0x0] =	vst.idx.add.s32.msk $0xffff, v1;
	v3 =	vmov v6  }
0x86: {  	_ =	sdelay $0x3  }
0x87: {  	[tilespmem:v2+s2+$0x0] =	vst.idx.add.s32.msk $0xffff, v1  }
0x88: {  	[tilespmem:v4+s2+$0x0] =	vst.idx.add.s32.msk $0xffff, v1;
	s18 =	sadd.s32 $0x1, s18  }
0x89: {  	[tilespmem:v5+s2+$0x0] =	vst.idx.add.s32.msk $0xffff, v1;
	p0 =	sne.s32 s18, s9  }
.Ltmp3:
0x8a: {  	[tilespmem:v3+s2+$0x0] =	vst.idx.add.s32.msk $0xffff, v1;
	(pc) =	sbr.rel @p0 .LBB2_2-.Ltmp3, $4  }
0x8b: {  	[hbm4b:s8+s11] =	stream.strided.scatter [tilespmem:s2], [sflag:$0x1], $0x10000, s17, s11, $0x38;
	[tilespmem:$0x16000] =	vst v63  }
0x8c: {  	_ =	swait.ge [sflag:s10], $0x10000  }
0x8d: {  	[sflag:s10] =	ssyncset.done $0x0  }
0x8e: {  	[sflag:s10] =	ssyncadd.s32 $0xFFFF0000  }
.LBB2_7:
0x8f: {  	_ =	sfence.sel $0x180000  }
0x90: {  	[bflag:$0x0] =	sbarrier.arrive $0xFFFF  }
0x91: {  	p0 =	sne.s32 s1, $0x0;
	_ =	strace $0x90000047  }
0x92: {  	s0 =	sadd.s32 @!p0 $0x100000, s0;
	[bflag:$0x2] =	sbarrier.arrive $0xFFFF  }
0x93: {  	[sflag:s0] =	ssyncadd.tile.s32 @!p0 $0x1;
	_ =	shalt  }
.Lfunc_end2:
_tile_overlayer_lowered:
.L_overlay_start_2:
0x94: {  	(tag) =	ssettag $0x2  }
0x95: {  	s0 =	rddreg [dreg:$0x0];
	s2 =	stileid.u32  }
0x96: {  	s1 =	rddreg [dreg:$0x1];
	p0 =	sne.s32 s2, $0x0  }
0x97: {  	s3 =	rddreg [dreg:$0x2];
	[bflag:$0x3] =	sbarrier.arrive $0xFFFF;
	s2 =	simm.s32 @!p0 $0x1C01  }
0x98: {  	[timem:s3], [sflag:s2] =	dma.local @!p0 [hbm:s0], s1  }
0x99: {  	s0 =	simm.s32 @!p0 $0x1  }
0x9a: {  	_ =	swait.ge @!p0 [sflag:s0], s1  }
0x9b: {  	s1 =	ssub.s32 @!p0 $0x0, s1;
	[sflag:s0] =	ssyncset.done @!p0 $0x0  }
0x9c: {  	[sflag:s0] =	ssyncadd.s32 @!p0 s1  }
0x9d: {  	[bflag:$0x3] =	sbarrier.arrive $0xFFFF  }
0x9e: {  	_ =	shalt  }

// kernel: sparse-core-data-format-call.cloned.1.call-start
scs
called_computation_lowered:
.L_overlay_start_0:
0x0: {  	s2 =	sld [smem:$0x3FD9]  }
0x1: {  	s3 =	sld [smem:$0x3FFE];
	_ =	sdelay $0x1  }
0x2: {  	s1 =	srdreg.scid  }
0x3: {  	s0 =	sand.u32 $0x1, s1  }
0x4: {  	s18 =	sshll.u32 s0, $0xA;
	s2 =	sadd.s32 s3, s2  }
0x5: {  	s2 =	sadd.s32 s2, s18  }
0x6: {  	[smem:$0x3FC4] =	sst s2  }
0x7: {  	_ = 	snop  }
0x8: {  	s2 =	sld [smem:$0x3FD0];
	(tm) =	ssettm $0x1  }
0x9: {  	s19 =	sld [smem:$0x3FFB];
	_ =	sdelay $0x3  }
0xa: {  	_ =	strace s19  }
0xb: {  	s3 =	sld [smem:$0x3FFC];
	_ =	sdelay $0x3  }
0xc: {  	_ =	strace s3  }
0xd: {  	s3 =	sld [smem:$0x3FFD];
	_ =	sdelay $0x3  }
0xe: {  	_ =	strace s3  }
0xf: {  	_ =	strace $0x8FFFFFFF  }
0x10: {  	s20 =	sld [smem:$0x3FDB];
	_ =	sdelay $0x1  }
0x11: {  	s4 =	simm.s32 $_scs_section_size  }
0x12: {  	s5 =	simm.s32 $_size__tile_overlayer_lowered;
	s6 =	simm.s32 $_tile_overlayer_lowered  }
0x13: {  	s23 =	simm.s32 $0x1BFF;
	s22 =	sshll.u32 s6, $0x1;
	s3 =	sadd.s32 s4, s20  }
0x14: {  	s7 =	simm.s32 $0x0;
	s21 =	sshll.u32 s5, $0x1;
	s5 =	sadd.s32 s22, s3  }
0x15: {  	[timem:s7], [sflag:s23] =	dma.local [hbm:s5], s21  }
0x16: {  	_ =	swait.ge [sflag:s23], s21  }
0x17: {  	s4 =	ssub.s32 $0x0, s21;
	[sflag:s23] =	ssyncset.done $0x0  }
0x18: {  	[sflag:s23] =	ssyncadd.s32 s4;
	_ =	sdelay $0x1  }
0x19: {  	s24 =	simm.s32 $0x1B8B  }
0x1a: {  	_ =	swait.ge [sflag:s24], $0x1  }
0x1b: {  	[sflag:s24] =	ssyncset.done $0x0  }
0x1c: {  	s26 =	simm.s32 $0x1B8E;
	s25 =	sld [smem:$0x3FFE];
	[sflag:s24] =	ssyncadd.s32 $0xFFFFFFFF  }
0x1d: {  	s27 =	simm.s32 $execute0_lowered;
	[smem:$0x3FD2] =	sst s26  }
0x1e: {  	s5 =	sshll.u32 s27, $0x1;
	_ =	strace $0x80000049;
	[dreg:$0x1] =	wrdreg $0xFFFFFFFF  }
0x1f: {  	s28 =	simm.s32 $_size_execute0_lowered;
	s3 =	sadd.s32 s3, s5;
	[dreg:$0x0] =	wrdreg $0x0  }
0x20: {  	s5 =	sshll.u32 s28, $0x1;
	[dreg:$0x2] =	wrdreg s3  }
0x21: {  	[dreg:$0x3] =	wrdreg s5  }
0x22: {  	[dreg:$0x4] =	wrdreg $0xC0  }
0x23: {  	_ =	task [dreg:s7], $0x5FFFF  }
0x24: {  	[dreg:$0x1] =	wrdreg $0xFFFFFFFF  }
0x25: {  	[dreg:$0x0] =	wrdreg $0x60  }
0x26: {  	[dreg:$0x2] =	wrdreg s25  }
0x27: {  	[dreg:$0x3] =	wrdreg s2  }
0x28: {  	[dreg:$0x4] =	wrdreg $0x9  }
0x29: {  	_ =	task.clear_ibuf [dreg:s7], $0x5FFFF;
	_ =	strace $0x90000049  }
0x2a: {  	s29 =	simm.s32 $0x9;
	_ =	strace $0x8000004B  }
0x2b: {  	_ =	swait.ge [sflag:s29], $0x1  }
0x2c: {  	[sflag:s29] =	ssyncadd.s32 $0xFFFFFFFF  }
0x2d: {  	_ =	strace $0x9000004B  }
0x2e: {  	_ =	sfence  }
0x2f: {  	s30 =	sld [smem:$0x0];
	_ =	sdelay $0x2  }
0x30: {  	s31 =	sshll.u32 s1, $0xD;
	s1 =	sshrl.u32 s1, $0x2  }
0x31: {  	s3 =	sand.u32 $0x4000, s31;
	s1 =	sadd.s32 s1, s30  }
0x32: {  	s0 =	sor.u32 s3, s0;
	s1 =	sshll.u32 s1, $0x11  }
0x33: {  	s0 =	sor.u32 s1, s0  }
0x34: {  	s0 =	sadd.s32 $0x8F2B, s0  }
0x35: {  	[sflag:s0] =	ssyncadd.remote.s32 $0x1  }
0x36: {  	_ =	sfence.sel $0xFFFF  }
0x37: {  	[dreg:$0x0] =	wrdreg $0xFFFFFFFF;
	(pc) =	sbr.abs _section_cstart, $3  }
0x38: {  	[dreg:$0x1] =	wrdreg $0xFFFFFFFF  }
0x39: {  	_ =	task.clear_ibuf [dreg:s7], $0x2FFFF;
	_ =	strace $0x9FFFFFFF  }
0x3a: {  	(tm) =	ssettm $0x7FFFFFFF  }
0x3b: {  	_ =	shalt  }
tec
execute0_lowered:
.L_overlay_start_1:
0x0: {  	(tag) =	ssettag $0x1  }
0x1: {  	s1 =	srdreg.scid  }
0x2: {  	s0 =	stileid.u32;
	s8 =	rddreg [dreg:$0x0]  }
0x3: {  	s2 =	rddreg [dreg:$0x1];
	s7 =	simm.s32 $0x1;
	s1 =	sshll.u32 s1, $0x4  }
0x4: {  	s9 =	simm.s32 $0x2;
	s15 =	simm.s32 $0x0;
	s1 =	sor.u32 s0, s1  }
0x5: {  	s16 =	simm.s32 $0x0;
	s17 =	simm.s32 $0x0;
	s1 =	sshrl.u32 s1, $0x2  }
0x6: {  	s11 =	simm.s32 $0x0;
	s14 =	simm.s32 $0x0;
	s3 =	sand.u32 $0x6, s1  }
0x7: {  	s4 =	sadd.s32 $0x802A00, s8;
	s8 =	sadd.s32 $0x803A00, s8;
	s6 =	ssub.s32 $0x100, s3  }
0x8: {  	s1 =	rddreg [dreg:$0x2];
	_ =	strace $0x8000004A;
	s5 =	sand.u32 $0x6, s6  }
.Ltmp0:
0x9: {  	s12 =	smov.u32 s3;
	p0 =	sne.s32 s5, $0x0;
	(pc) =	sbr.rel .LBB1_1-.Ltmp0, $4  }
0xa: {  	s6 =	sshrl.u32 s6, $0x3;
	s5 =	simm.s32 $0x1;
	s7 =	simm.s32 @!p0 $0x0  }
0xb: {  	[sflag:s5] =	ssyncpa.u1 $0x0;
	p0 =	por $0x0, $0x0;
	s10 =	sadd.s32 s7, s6  }
0xc: {  	s6 =	sand.u32 $0x7, s0;
	[sflag:s9] =	ssyncpa.u1 $0x0;
	s7 =	sshll.u32 s10, $0x1  }
0xd: {  	s9 =	sshllo.u32 s10, $0x1;
	s10 =	simm.s32 $0x800;
	s13 =	smov.u32 s6  }
.LBB1_7:
0xe: {  	s18 =	sadd.s32 $0x80, s11  }
0xf: {  	s15 =	sadd.s32 $0x8, s12;
	s19 =	smov.u32 s12;
	p2 =	sgt.s32 s18, $0xFF  }
0x10: {  	s19 =	smov.u32 @p2 s15  }
0x11: {  	s21 =	smov.u32 s13;
	s15 =	sadd.s32 $0x8, s13;
	p3 =	sgt.s32 s19, $0xFF  }
0x12: {  	s21 =	smov.u32 @p3 s15  }
0x13: {  	s18 =	simm.s32 @p2 $0x0;
	p2 =	sgt.s32 s21, $0x7  }
0x14: {  	p1 =	slt.u32 s14, $0x2;
	s21 =	smov.u32 @p2 s6;
	p2 =	sne.s32 s14, s9  }
.Ltmp1:
0x15: {  	s20 =	simm.s32 @!p1 $0x2;
	(pc) =	sbr.rel @!p2 .LBB1_8-.Ltmp1, $4  }
0x16: {  	s16 =	smov.u32 s12;
	s17 =	smov.u32 s13;
	_ =	swait.ge @!p1 [sflag:s20], $0x4000  }
0x17: {  	p0 =	por !p0, !p0;
	[sflag:s20] =	ssyncset.done @!p1 $0x0;
	s19 =	smov.u32 @p3 s3  }
0x18: {  	s15 =	smov.u32 s11;
	[sflag:s20] =	ssyncadd.s32 @!p1 $0xFFFFC000;
	s11 =	smov.u32 s18  }
0x19: {  	s12 =	smov.u32 s19;
	s14 =	sadd.s32 $0x1, s14;
	s13 =	smov.u32 s21  }
.LBB1_1:
0x1a: {  	p1 =	sge.u32 s14, s7  }
0x1b: {  	s18 =	sxor.u32 @!p1 $0xFFFFFFFF, s14;
	s19 =	sshll.u32 @!p1 s13, $0x14  }
0x1c: {  	s20 =	sshll.u32 @!p1 s12, $0xC;
	s22 =	sshll.u32 @!p1 s11, $0x4;
	s23 =	simm.s32 @!p1 $0x40  }
0x1d: {  	s24 =	simm.s32 @!p1 $0x80;
	s18 =	sshll.u32 @!p1 s18, $0xE;
	s21 =	sadd.s32 @!p1 s19, s20  }
0x1e: {  	s22 =	sand.u32 @!p1 $0xFF0, s22;
	s19 =	sadd.s32 @!p1 s19, s8;
	s21 =	sadd.s32 @!p1 s4, s21  }
0x1f: {  	s18 =	sand.u32 @!p1 $0x4000, s18;
	s19 =	sadd.s32 @!p1 s20, s19;
	s21 =	sadd.s32 @!p1 s22, s21  }
0x20: {  	[tilespmem:s18], [sflag:$0x1] =	stream.strided.gather @!p1 [hbm4b:s21+s23], $0x2000, s24, s23, $0x38;
	[tilespmem:$0x10100] =	vst v63  }
0x21: {  	s31 =	sadd.s32 $0xFFFFFFFF, s14;
	s19 =	sadd.s32 @!p1 s22, s19;
	s18 =	sor.u32 @!p1 $0x2000, s18  }
0x22: {  	[tilespmem:s18], [sflag:$0x1] =	stream.strided.gather @!p1 [hbm4b:s19+s23], $0x2000, s24, s23, $0x38;
	[tilespmem:$0x10100] =	vst v63  }
0x23: {  	p1 =	sge.u32 s31, s7  }
.Ltmp2:
0x24: {  	_ = 	snop;
	(pc) =	sbr.rel @p1 .LBB1_7-.Ltmp2, $1  }
0x25: {  	_ =	sdelay $0x3  }
0x26: {  	s18 =	simm.s32 $0x1;
	s20 =	sand.u32 $0x1, s14  }
0x27: {  	_ =	swait.ge [sflag:s5], $0x4000;
	s18 =	simm.s32 @!p0 $0x0;
	s20 =	smul.u32 $0x10200, s20  }
0x28: {  	p2 =	por $0x1, $0x1;
	[sflag:s5] =	ssyncset.done $0x0;
	s19 =	smul.u32 $0x10200, s18  }
0x29: {  	s21 =	sshll.u32 s18, $0x10;
	[sflag:s5] =	ssyncadd.s32 $0xFFFFC000;
	s30 =	sshrl.u32 s20, $0x2  }
0x2a: {  	s31 =	sshrl.u32 s21, $0x2;
	s21 =	simm.s32 $0x0;
	s19 =	sshrl.u32 s19, $0x2  }
0x2b: {  	s18 =	sor.u32 $0x8000, s30;
	s20 =	sadd.s32 $0x20, s31;
	s19 =	sor.u32 $0x8000, s19  }
.LBB1_3:
0x2c: {  	s22 =	sshll.u32 s21, $0xD  }
0x2d: {  	s22 =	sand.u32 $0x3FFFE000, s22  }
0x2e: {  	s24 =	sadd.s32 s22, s20  }
0x2f: {  	s31 =	smul.u32 $0x8100, s21;
	v3 =	vld [tilespmem:s24+$0x10]  }
0x30: {  	v1 =	vld [tilespmem:s24+$0xFFFFFFF0]  }
0x31: {  	s21 =	sshra.s32 s31, $0x2;
	v0 =	vld [tilespmem:s24+$0x0]  }
0x32: {  	s21 =	sadd.s32 s21, s19;
	v2 =	vld [tilespmem:s24+$0xFFFFFFE0]  }
0x33: {  	s22 =	sadd.s32 $0x0, s21  }
0x34: {  	p1 =	por p2, p2;
	s23 =	simm.s32 $0x4;
	s24 =	sadd.s32 $0x40, s24;
	[tilespmem:s22+$0x1830 ss:$0x81] =	vst.msk $0xffff, v3  }
.LBB1_4:
0x35: {  	v3 =	vld [tilespmem:s24+$0x10];
	p2 =	sne.s32 s23, $0x1FC;
	[tilespmem:s22+$0x810 ss:$0x81] =	vst.msk $0xffff, v1;
	s25 =	smov.u32 s23;
	s23 =	sadd.s32 $0x4, s23  }
.Ltmp3:
0x36: {  	v1 =	vld [tilespmem:s24+$0xFFFFFFF0];
	[tilespmem:s22+$0x1020 ss:$0x81] =	vst.msk $0xffff, v0;
	(pc) =	sbr.rel @p2 .LBB1_4-.Ltmp3, $4  }
0x37: {  	v0 =	vld [tilespmem:s24+$0x0];
	[tilespmem:s22+$0x0 ss:$0x81] =	vst.msk $0xffff, v2  }
0x38: {  	s22 =	sshra.s32 s25, $0x2;
	v2 =	vld [tilespmem:s24+$0xFFFFFFE0]  }
0x39: {  	s22 =	sadd.s32 s22, s21  }
0x3a: {  	s24 =	sadd.s32 $0x40, s24;
	[tilespmem:s22+$0x1830 ss:$0x81] =	vst.msk $0xffff, v3  }
.Ltmp4:
0x3b: {  	(pc) =	sbr.rel @p1 .LBB1_3-.Ltmp4, $4  }
0x3c: {  	_ = 	snop  }
0x3d: {  	[tilespmem:s22+$0x810 ss:$0x81] =	vst.msk $0xffff, v1  }
0x3e: {  	[tilespmem:s22+$0x1020 ss:$0x81] =	vst.msk $0xffff, v0  }
0x3f: {  	s21 =	simm.s32 $0x1;
	p2 =	por $0x0, $0x0;
	[tilespmem:s22+$0x0 ss:$0x81] =	vst.msk $0xffff, v2  }
0x40: {  	s17 =	sshll.u32 s17, $0x13;
	s19 =	sand.u32 $0x780, s15  }
.Ltmp5:
0x41: {  	s16 =	sshll.u32 s16, $0xB;
	s17 =	sadd.s32 s2, s17;
	(pc) =	sbr.rel .LBB1_7-.Ltmp5, $4  }
0x42: {  	s20 =	sshrl.u32 s15, $0x3;
	s30 =	sand.u32 $0x7, s15;
	s16 =	sadd.s32 s16, s17  }
0x43: {  	s31 =	sand.u32 $0xF, s20;
	s15 =	sshll.u32 s30, $0x12;
	s16 =	sadd.s32 s19, s16  }
0x44: {  	s15 =	sor.u32 $0x400, s15;
	s16 =	sadd.s32 s31, s16  }
0x45: {  	[hbm4b:s16+s15] =	stream.strided.scatter [tilespmem:s18], [sflag:$0x2], $0x4000, s10, s15, $0x20;
	[tilespmem:$0x10100] =	vst v63  }
.LBB1_8:
0x46: {  	_ =	sfence.sel $0x180000  }
0x47: {  	s2 =	simm.s32 $0x1;
	[bflag:$0x0] =	sbarrier.arrive $0xFFFF  }
0x48: {  	s31 =	simm.s32 $0x2;
	[sflag:s2] =	ssyncpa.u1 $0x1  }
0x49: {  	[sflag:s31] =	ssyncpa.u1 $0x1  }
0x4a: {  	p0 =	sne.s32 s0, $0x0;
	_ =	strace $0x9000004A  }
0x4b: {  	s0 =	sadd.s32 @!p0 $0x100000, s1;
	[bflag:$0x2] =	sbarrier.arrive $0xFFFF  }
0x4c: {  	[sflag:s0] =	ssyncadd.tile.s32 @!p0 $0x1;
	_ =	shalt  }
.Lfunc_end1:
_tile_overlayer_lowered:
.L_overlay_start_2:
0x4d: {  	(tag) =	ssettag $0x2  }
0x4e: {  	s0 =	rddreg [dreg:$0x0];
	s2 =	stileid.u32  }
0x4f: {  	s1 =	rddreg [dreg:$0x1];
	p0 =	sne.s32 s2, $0x0  }
0x50: {  	s3 =	rddreg [dreg:$0x2];
	[bflag:$0x3] =	sbarrier.arrive $0xFFFF;
	s2 =	simm.s32 @!p0 $0x1C01  }
0x51: {  	[timem:s3], [sflag:s2] =	dma.local @!p0 [hbm:s0], s1  }
0x52: {  	s0 =	simm.s32 @!p0 $0x1  }
0x53: {  	_ =	swait.ge @!p0 [sflag:s0], s1  }
0x54: {  	s1 =	ssub.s32 @!p0 $0x0, s1;
	[sflag:s0] =	ssyncset.done @!p0 $0x0  }
0x55: {  	[sflag:s0] =	ssyncadd.s32 @!p0 s1  }
0x56: {  	[bflag:$0x3] =	sbarrier.arrive $0xFFFF  }
0x57: {  	_ =	shalt  }

</sc_bundles>
